<compile_context>
chip_gen: v7x
topology: tpu7x:2x2x1
jax: 0.10.2.dev20260603
libtpu: 0.0.44.dev20260713+nightly
codegen_flags: <defaults>
</compile_context>

<pallas_src>
import functools

import jax
import jax.numpy as jnp
from jax import lax
from jax.experimental import pallas as pl
from jax.experimental.pallas import tpu as pltpu
from jax.experimental.pallas import tpu_sc as plsc

_NE = 1024
_D = 64
_P = 4096
_B = 8
_NW = 32
_BPW = (_B * _P) // _NW


def _tc_body(x_ref, e_ref, idx_ref, ep_ref, e2_ref):
    e = e_ref[...]

    @pl.when(pl.program_id(0) == 0)
    def _init():
        e2_ref[...] = jnp.sum(e * e, axis=1, keepdims=True)

    ep_ref[...] = jnp.concatenate(
        [e, jnp.zeros((_NE, 128 - _D), jnp.float32)], axis=1)

    x = x_ref[0]
    x2 = jnp.sum(x * x, axis=0, keepdims=True)
    e2 = e2_ref[...]
    mm2 = jax.lax.dot_general(e + e, x, (((1,), (0,)), ((), ())))
    dist = (x2 + e2) - mm2
    m = jnp.min(dist, axis=0, keepdims=True)
    jidx = jax.lax.broadcasted_iota(jnp.int32, (_NE, _P), 0).astype(jnp.float32)
    idxf = jnp.min(jnp.where(dist == m, jidx, float(_NE)), axis=0,
                   keepdims=True)
    idx_ref[0] = idxf.astype(jnp.int32)


def _sc_body(ep_hbm, idx_hbm, rows_hbm, idx_v, rows_v, sem):
    wid = lax.axis_index("s") * 2 + lax.axis_index("c")
    for k in range(2):
        base = wid * _BPW + k * (_BPW // 2)
        pltpu.sync_copy(idx_hbm.at[pl.ds(base, _BPW // 2)], idx_v)
        pltpu.async_copy(ep_hbm.at[idx_v], rows_v, sem).wait()
        pltpu.sync_copy(rows_v, rows_hbm.at[pl.ds(base, _BPW // 2)])


_sc_gather = functools.partial(
    pl.kernel,
    out_type=jax.ShapeDtypeStruct((_B * _P, 128), jnp.float32),
    mesh=plsc.VectorSubcoreMesh(core_axis_name="c", subcore_axis_name="s"),
    scratch_types=[
        pltpu.VMEM((_BPW // 2,), jnp.int32),
        pltpu.VMEM((_BPW // 2, 128), jnp.float32),
        pltpu.SemaphoreType.DMA,
    ],
)(_sc_body)


def _tr_body(r_ref, o_ref):
    o_ref[0] = jnp.transpose(r_ref[...][:, :_D], (1, 0))


def kernel(inputs, embedding):
    b, c, h, w = inputs.shape
    xf = inputs.reshape(b, c, h * w)
    npix = h * w
    idx = pl.pallas_call(
        _tc_body,
        grid=(b,),
        in_specs=[pl.BlockSpec((1, c, _P), lambda i: (i, 0, 0)),
                  pl.BlockSpec((_NE, _D), lambda i: (0, 0))],
        out_specs=[pl.BlockSpec((1, 1, _P), lambda i: (i, 0, 0)),
                   pl.BlockSpec((_NE, 128), lambda i: (0, 0))],
        out_shape=[jax.ShapeDtypeStruct((b, 1, npix), jnp.int32),
                   jax.ShapeDtypeStruct((_NE, 128), jnp.float32)],
        scratch_shapes=[pltpu.VMEM((_NE, 1), jnp.float32)],
    )(xf, embedding)
    idx, epad = idx
    rows = _sc_gather(epad, idx.reshape(-1))
    out = pl.pallas_call(
        _tr_body,
        grid=(b,),
        in_specs=[pl.BlockSpec((_P, 128), lambda i: (i, 0))],
        out_specs=pl.BlockSpec((1, _D, _P), lambda i: (i, 0, 0)),
        out_shape=jax.ShapeDtypeStruct((b, _D, npix), jnp.float32),
    )(rows)
    return out.reshape(b, c, h, w)

# --- scband reference (transcript-rebuilt; emitter-appended) ---
"""Pipeline reference for scband-vqvaebottleneck-438086664271 (READ-ONLY COPY).

The authoritative reference and input builder live on the scoring server;
editing this copy changes nothing except your own understanding.
"""

import jax, jax.numpy as jnp
import numpy as np

NUM_EMBEDDINGS = 1024
EMBEDDING_DIM = 64
COMMITMENT_COST = 0.25


def setup_inputs(seed: int = 0) -> dict:
    key = jax.random.key(seed)
    k1, k2 = jax.random.split(key)
    inputs = jax.random.normal(k1, (8, EMBEDDING_DIM, 64, 64), dtype=jnp.float32)
    lim = 1.0 / NUM_EMBEDDINGS
    embedding = jax.random.uniform(k2, (NUM_EMBEDDINGS, EMBEDDING_DIM), dtype=jnp.float32, minval=-lim, maxval=lim)
    return {"inputs": inputs, "embedding": embedding}


def reference(inputs, embedding):
    # BCHW -> BHWC
    x = jnp.transpose(inputs, (0, 2, 3, 1))
    input_shape = x.shape
    flat_input = x.reshape(-1, EMBEDDING_DIM)
    # squared L2 distances to every codebook entry
    distances = (
        jnp.sum(flat_input ** 2, axis=1, keepdims=True)
        + jnp.sum(embedding ** 2, axis=1)
        - 2.0 * jnp.matmul(flat_input, embedding.T)
    )
    encoding_indices = jnp.argmin(distances, axis=1)
    quantized = jnp.take(embedding, encoding_indices, axis=0).reshape(input_shape)
    e_latent_loss = jnp.mean((jax.lax.stop_gradient(quantized) - x) ** 2)
    q_latent_loss = jnp.mean((quantized - jax.lax.stop_gradient(x)) ** 2)
    loss = q_latent_loss + COMMITMENT_COST * e_latent_loss  # stored as attribute in torch; computed for fidelity
    # straight-through estimator
    quantized_st = x + jax.lax.stop_gradient(quantized - x)
    out = jnp.transpose(quantized_st, (0, 3, 1, 2))
    return out

if __name__ == "__main__":
    import jax
    _d = setup_inputs()
    print(jax.jit(kernel)(*tuple(_d.values())))

</pallas_src>

<mosaic_0001>
#map = affine_map<(d0, d1) -> (0, 0)>
#map1 = affine_map<(d0, d1) -> (0)>
module attributes {stable_mosaic.version = 14 : i64} {
  func.func @_sc_body(%arg0: i32, %arg1: i32, %arg2: memref<1024x128xf32, #tpu.memory_space<hbm>>, %arg3: memref<32768xi32, #tpu.memory_space<hbm>>, %arg4: memref<32768x128xf32, #tpu.memory_space<hbm>>, %arg5: memref<512xi32, #tpu.memory_space<vmem>>, %arg6: memref<512x128xf32, #tpu.memory_space<vmem>>, %arg7: memref<!tpu.dma_semaphore, #tpu.memory_space<semaphore_mem>>) attributes {dimension_semantics = [#tpu.dimension_semantics<core_parallel>, #tpu.dimension_semantics<subcore_parallel>], iteration_bounds = array<i64: 2, 16>, scalar_prefetch = 0 : i64, scratch_operands = 3 : i64, tpu.core_type = #tpu.core_type<sc_vector_subcore>, window_params = [{transform_indices = #map}, {transform_indices = #map1}, {transform_indices = #map}]} {
    %mul3A = arith.constant 2 : i32
    %mul3A_0 = arith.muli %arg1, %mul3A : i32
    %add3A = arith.addi %mul3A_0, %arg0 : i32
    %mul3A_1 = arith.constant 1024 : i32
    %mul3A_2 = arith.muli %add3A, %mul3A_1 : i32
    %add3A_3 = arith.constant 0 : i32
    %add3A_4 = arith.addi %mul3A_2, %add3A_3 : i32
    "tpu.region"() ({
      %run_scoped3A = tpu.sem_alloc : memref<!tpu.dma_semaphore, #tpu.memory_space<semaphore_mem>>
      %dma_start3A_19 = tpu.memref_slice %arg3[%add3A_4] : memref<32768xi32, #tpu.memory_space<hbm>> -> memref<512xi32, #tpu.memory_space<hbm>>
      %dma_start3A_20 = tpu.memref_slice %arg3[%add3A_4] : memref<32768xi32, #tpu.memory_space<hbm>> -> memref<512xi32, #tpu.memory_space<hbm>>
      tpu.enqueue_dma source(%dma_start3A_20 : memref<512xi32, #tpu.memory_space<hbm>>) target(%arg5 : memref<512xi32, #tpu.memory_space<vmem>>) target_semaphore(%run_scoped3A : memref<!tpu.dma_semaphore, #tpu.memory_space<semaphore_mem>>)
      %dma_wait3A_21 = tpu.memref_slice %arg3[%add3A_4] : memref<32768xi32, #tpu.memory_space<hbm>> -> memref<512xi32, #tpu.memory_space<hbm>>
      %dma_wait3A_22 = tpu.memref_slice %arg3[%add3A_4] : memref<32768xi32, #tpu.memory_space<hbm>> -> memref<512xi32, #tpu.memory_space<hbm>>
      tpu.wait_dma2 semaphore(%run_scoped3A : memref<!tpu.dma_semaphore, #tpu.memory_space<semaphore_mem>>) src(%dma_wait3A_22 : memref<512xi32, #tpu.memory_space<hbm>>) dst(%arg5 : memref<512xi32, #tpu.memory_space<vmem>>)
      tpu.yield
    }) : () -> ()
    %dma_start3A = arith.constant 0 : i32
    %dma_start3A_5 = arith.constant 0 : i32
    %dma_start3A_6 = tpu.memref_slice %arg2[%dma_start3A, %dma_start3A_5] : memref<1024x128xf32, #tpu.memory_space<hbm>> -> memref<1024x128xf32, #tpu.memory_space<hbm>>
    tpu.enqueue_indirect_dma source(%dma_start3A_6 : memref<1024x128xf32, #tpu.memory_space<hbm>>) target(%arg6 : memref<512x128xf32, #tpu.memory_space<vmem>>) offsets(%arg5 : memref<512xi32, #tpu.memory_space<vmem>>) semaphore(%arg7 : memref<!tpu.dma_semaphore, #tpu.memory_space<semaphore_mem>>)
    %dma_wait3A = arith.constant 0 : i32
    %dma_wait3A_7 = arith.constant 0 : i32
    %dma_wait3A_8 = tpu.memref_slice %arg2[%dma_wait3A, %dma_wait3A_7] : memref<1024x128xf32, #tpu.memory_space<hbm>> -> memref<1024x128xf32, #tpu.memory_space<hbm>>
    tpu.wait_indirect_dma semaphore(%arg7 : memref<!tpu.dma_semaphore, #tpu.memory_space<semaphore_mem>>) src(%dma_wait3A_8 : memref<1024x128xf32, #tpu.memory_space<hbm>>) dst(%arg6 : memref<512x128xf32, #tpu.memory_space<vmem>>)
    "tpu.region"() ({
      %run_scoped3A = tpu.sem_alloc : memref<!tpu.dma_semaphore, #tpu.memory_space<semaphore_mem>>
      %dma_start3A_19 = arith.constant 0 : i32
      %dma_start3A_20 = tpu.memref_slice %arg4[%add3A_4, %dma_start3A_19] : memref<32768x128xf32, #tpu.memory_space<hbm>> -> memref<512x128xf32, #tpu.memory_space<hbm>>
      %dma_start3A_21 = arith.constant 0 : i32
      %dma_start3A_22 = tpu.memref_slice %arg4[%add3A_4, %dma_start3A_21] : memref<32768x128xf32, #tpu.memory_space<hbm>> -> memref<512x128xf32, #tpu.memory_space<hbm>>
      tpu.enqueue_dma source(%arg6 : memref<512x128xf32, #tpu.memory_space<vmem>>) target(%dma_start3A_22 : memref<512x128xf32, #tpu.memory_space<hbm>>) target_semaphore(%run_scoped3A : memref<!tpu.dma_semaphore, #tpu.memory_space<semaphore_mem>>)
      %dma_wait3A_23 = arith.constant 0 : i32
      %dma_wait3A_24 = tpu.memref_slice %arg4[%add3A_4, %dma_wait3A_23] : memref<32768x128xf32, #tpu.memory_space<hbm>> -> memref<512x128xf32, #tpu.memory_space<hbm>>
      %dma_wait3A_25 = arith.constant 0 : i32
      %dma_wait3A_26 = tpu.memref_slice %arg4[%add3A_4, %dma_wait3A_25] : memref<32768x128xf32, #tpu.memory_space<hbm>> -> memref<512x128xf32, #tpu.memory_space<hbm>>
      tpu.wait_dma2 semaphore(%run_scoped3A : memref<!tpu.dma_semaphore, #tpu.memory_space<semaphore_mem>>) src(%arg6 : memref<512x128xf32, #tpu.memory_space<vmem>>) dst(%dma_wait3A_26 : memref<512x128xf32, #tpu.memory_space<hbm>>)
      tpu.yield
    }) : () -> ()
    %mul3A_9 = arith.constant 1024 : i32
    %mul3A_10 = arith.muli %add3A, %mul3A_9 : i32
    %add3A_11 = arith.constant 512 : i32
    %add3A_12 = arith.addi %mul3A_10, %add3A_11 : i32
    "tpu.region"() ({
      %run_scoped3A = tpu.sem_alloc : memref<!tpu.dma_semaphore, #tpu.memory_space<semaphore_mem>>
      %dma_start3A_19 = tpu.memref_slice %arg3[%add3A_12] : memref<32768xi32, #tpu.memory_space<hbm>> -> memref<512xi32, #tpu.memory_space<hbm>>
      %dma_start3A_20 = tpu.memref_slice %arg3[%add3A_12] : memref<32768xi32, #tpu.memory_space<hbm>> -> memref<512xi32, #tpu.memory_space<hbm>>
      tpu.enqueue_dma source(%dma_start3A_20 : memref<512xi32, #tpu.memory_space<hbm>>) target(%arg5 : memref<512xi32, #tpu.memory_space<vmem>>) target_semaphore(%run_scoped3A : memref<!tpu.dma_semaphore, #tpu.memory_space<semaphore_mem>>)
      %dma_wait3A_21 = tpu.memref_slice %arg3[%add3A_12] : memref<32768xi32, #tpu.memory_space<hbm>> -> memref<512xi32, #tpu.memory_space<hbm>>
      %dma_wait3A_22 = tpu.memref_slice %arg3[%add3A_12] : memref<32768xi32, #tpu.memory_space<hbm>> -> memref<512xi32, #tpu.memory_space<hbm>>
      tpu.wait_dma2 semaphore(%run_scoped3A : memref<!tpu.dma_semaphore, #tpu.memory_space<semaphore_mem>>) src(%dma_wait3A_22 : memref<512xi32, #tpu.memory_space<hbm>>) dst(%arg5 : memref<512xi32, #tpu.memory_space<vmem>>)
      tpu.yield
    }) : () -> ()
    %dma_start3A_13 = arith.constant 0 : i32
    %dma_start3A_14 = arith.constant 0 : i32
    %dma_start3A_15 = tpu.memref_slice %arg2[%dma_start3A_13, %dma_start3A_14] : memref<1024x128xf32, #tpu.memory_space<hbm>> -> memref<1024x128xf32, #tpu.memory_space<hbm>>
    tpu.enqueue_indirect_dma source(%dma_start3A_15 : memref<1024x128xf32, #tpu.memory_space<hbm>>) target(%arg6 : memref<512x128xf32, #tpu.memory_space<vmem>>) offsets(%arg5 : memref<512xi32, #tpu.memory_space<vmem>>) semaphore(%arg7 : memref<!tpu.dma_semaphore, #tpu.memory_space<semaphore_mem>>)
    %dma_wait3A_16 = arith.constant 0 : i32
    %dma_wait3A_17 = arith.constant 0 : i32
    %dma_wait3A_18 = tpu.memref_slice %arg2[%dma_wait3A_16, %dma_wait3A_17] : memref<1024x128xf32, #tpu.memory_space<hbm>> -> memref<1024x128xf32, #tpu.memory_space<hbm>>
    tpu.wait_indirect_dma semaphore(%arg7 : memref<!tpu.dma_semaphore, #tpu.memory_space<semaphore_mem>>) src(%dma_wait3A_18 : memref<1024x128xf32, #tpu.memory_space<hbm>>) dst(%arg6 : memref<512x128xf32, #tpu.memory_space<vmem>>)
    "tpu.region"() ({
      %run_scoped3A = tpu.sem_alloc : memref<!tpu.dma_semaphore, #tpu.memory_space<semaphore_mem>>
      %dma_start3A_19 = arith.constant 0 : i32
      %dma_start3A_20 = tpu.memref_slice %arg4[%add3A_12, %dma_start3A_19] : memref<32768x128xf32, #tpu.memory_space<hbm>> -> memref<512x128xf32, #tpu.memory_space<hbm>>
      %dma_start3A_21 = arith.constant 0 : i32
      %dma_start3A_22 = tpu.memref_slice %arg4[%add3A_12, %dma_start3A_21] : memref<32768x128xf32, #tpu.memory_space<hbm>> -> memref<512x128xf32, #tpu.memory_space<hbm>>
      tpu.enqueue_dma source(%arg6 : memref<512x128xf32, #tpu.memory_space<vmem>>) target(%dma_start3A_22 : memref<512x128xf32, #tpu.memory_space<hbm>>) target_semaphore(%run_scoped3A : memref<!tpu.dma_semaphore, #tpu.memory_space<semaphore_mem>>)
      %dma_wait3A_23 = arith.constant 0 : i32
      %dma_wait3A_24 = tpu.memref_slice %arg4[%add3A_12, %dma_wait3A_23] : memref<32768x128xf32, #tpu.memory_space<hbm>> -> memref<512x128xf32, #tpu.memory_space<hbm>>
      %dma_wait3A_25 = arith.constant 0 : i32
      %dma_wait3A_26 = tpu.memref_slice %arg4[%add3A_12, %dma_wait3A_25] : memref<32768x128xf32, #tpu.memory_space<hbm>> -> memref<512x128xf32, #tpu.memory_space<hbm>>
      tpu.wait_dma2 semaphore(%run_scoped3A : memref<!tpu.dma_semaphore, #tpu.memory_space<semaphore_mem>>) src(%arg6 : memref<512x128xf32, #tpu.memory_space<vmem>>) dst(%dma_wait3A_26 : memref<512x128xf32, #tpu.memory_space<hbm>>)
      tpu.yield
    }) : () -> ()
    return
  }
}

module attributes {stable_mosaic.version = 14 : i64} {
  func.func @_tr_body(%arg0: i32, %arg1: memref<4096x128xf32, #tpu.memory_space<vmem>>, %arg2: memref<1x64x4096xf32, #tpu.memory_space<vmem>>) attributes {dimension_semantics = [#tpu.dimension_semantics<arbitrary>], iteration_bounds = array<i64: 8>, scalar_prefetch = 0 : i64, scratch_operands = 0 : i64, tpu.core_type = #tpu.core_type<tc>, window_params = [{transform_indices = @transform_0, window_bounds = array<i64: 4096, 128>}, {transform_indices = @transform_1, window_bounds = array<i64: 1, 64, 4096>}]} {
    %get3A = arith.constant 0 : index
    %get3A_0 = arith.constant 0 : index
    %get3A_1 = vector.load %arg1[%get3A, %get3A_0] : memref<4096x128xf32, #tpu.memory_space<vmem>>, vector<4096x128xf32>
    %slice3A = vector.extract_strided_slice %get3A_1 {offsets = [0, 0], sizes = [4096, 64], strides = [1, 1]} : vector<4096x128xf32> to vector<4096x64xf32>
    %transpose3A = tpu.transpose %slice3A, [1, 0] : vector<4096x64xf32> -> vector<64x4096xf32>
    %swap3A = arith.constant 0 : index
    %swap3A_2 = arith.constant 0 : index
    %swap3A_3 = arith.constant 0 : index
    %swap3A_4 = vector.load %arg2[%swap3A, %swap3A_2, %swap3A_3] : memref<1x64x4096xf32, #tpu.memory_space<vmem>>, vector<1x64x4096xf32>
    %swap3A_5 = vector.shape_cast %swap3A_4 : vector<1x64x4096xf32> to vector<64x4096xf32>
    %swap3A_6 = vector.shape_cast %transpose3A : vector<64x4096xf32> to vector<1x64x4096xf32>
    tpu.vector_store %arg2[%swap3A, %swap3A_2, %swap3A_3], %swap3A_6 {strides = array<i32>} : memref<1x64x4096xf32, #tpu.memory_space<vmem>>, vector<1x64x4096xf32>,
    return
  }
  func.func @transform_0(%arg0: i32) -> (i32, i32) {
    %c0_i32 = arith.constant 0 : i32
    %c0_i32_0 = arith.constant 0 : i32
    return %arg0, %c0_i32 : i32, i32
  }
  func.func @transform_1(%arg0: i32) -> (i32, i32, i32) {
    %c0_i32 = arith.constant 0 : i32
    %c0_i32_0 = arith.constant 0 : i32
    %c0_i32_1 = arith.constant 0 : i32
    return %arg0, %c0_i32, %c0_i32_0 : i32, i32, i32
  }
}

module attributes {stable_mosaic.version = 14 : i64} {
  func.func @_tc_body(%arg0: i32, %arg1: memref<1x64x4096xf32, #tpu.memory_space<vmem>>, %arg2: memref<1024x64xf32, #tpu.memory_space<vmem>>, %arg3: memref<1x1x4096xi32, #tpu.memory_space<vmem>>, %arg4: memref<1024x128xf32, #tpu.memory_space<vmem>>, %arg5: memref<1024x1xf32, #tpu.memory_space<vmem>>) attributes {dimension_semantics = [#tpu.dimension_semantics<arbitrary>], iteration_bounds = array<i64: 8>, scalar_prefetch = 0 : i64, scratch_operands = 1 : i64, tpu.core_type = #tpu.core_type<tc>, window_params = [{transform_indices = @transform_0, window_bounds = array<i64: 1, 64, 4096>}, {pipeline_mode = #tpu.pipeline_mode<synchronous>, transform_indices = @transform_1, window_bounds = array<i64: 1024, 64>}, {transform_indices = @transform_2, window_bounds = array<i64: 1, 1, 4096>}, {pipeline_mode = #tpu.pipeline_mode<synchronous>, transform_indices = @transform_3, window_bounds = array<i64: 1024, 128>}]} {
    %get3A = arith.constant 0 : index
    %get3A_0 = arith.constant 0 : index
    %get3A_1 = vector.load %arg2[%get3A, %get3A_0] : memref<1024x64xf32, #tpu.memory_space<vmem>>, vector<1024x64xf32>
    %eq3A = arith.constant 0 : i32
    %eq3A_2 = arith.cmpi eq, %arg0, %eq3A : i32
    %convert_element_type3A = arith.extui %eq3A_2 : i1 to i32
    %cond3A = arith.constant 0 : i32
    %cond3A_3 = arith.cmpi ne, %convert_element_type3A, %cond3A : i32
    scf.if %cond3A_3 {
      %mul3A_37 = arith.mulf %get3A_1, %get3A_1 : vector<1024x64xf32>
      %reduce_sum3A_38 = arith.constant dense<0.000000e+00> : vector<1024xf32>
      %reduce_sum3A_39 = vector.multi_reduction <add>, %mul3A_37, %reduce_sum3A_38 [1] : vector<1024x64xf32> to vector<1024xf32>
      %broadcast_in_dim3A_40 = vector.shape_cast %reduce_sum3A_39 : vector<1024xf32> to vector<1024x1xf32>
      %swap3A_41 = arith.constant 0 : index
      %swap3A_42 = arith.constant 0 : index
      %swap3A_43 = vector.load %arg5[%swap3A_41, %swap3A_42] : memref<1024x1xf32, #tpu.memory_space<vmem>>, vector<1024x1xf32>
      tpu.vector_store %arg5[%swap3A_41, %swap3A_42], %broadcast_in_dim3A_40 {strides = array<i32>} : memref<1024x1xf32, #tpu.memory_space<vmem>>, vector<1024x1xf32>,
    } else {
    }
    %broadcast_in_dim3A = arith.constant 0.000000e+00 : f32
    %broadcast_in_dim3A_4 = vector.broadcast %broadcast_in_dim3A : f32 to vector<1024x64xf32>
    %concatenate3A = tpu.concatenate %get3A_1, %broadcast_in_dim3A_4 in 1 : vector<1024x64xf32>, vector<1024x64xf32> -> vector<1024x128xf32>
    %swap3A = arith.constant 0 : index
    %swap3A_5 = arith.constant 0 : index
    %swap3A_6 = vector.load %arg4[%swap3A, %swap3A_5] : memref<1024x128xf32, #tpu.memory_space<vmem>>, vector<1024x128xf32>
    tpu.vector_store %arg4[%swap3A, %swap3A_5], %concatenate3A {strides = array<i32>} : memref<1024x128xf32, #tpu.memory_space<vmem>>, vector<1024x128xf32>,
    %get3A_7 = arith.constant 0 : index
    %get3A_8 = arith.constant 0 : index
    %get3A_9 = arith.constant 0 : index
    %get3A_10 = vector.load %arg1[%get3A_7, %get3A_8, %get3A_9] : memref<1x64x4096xf32, #tpu.memory_space<vmem>>, vector<1x64x4096xf32>
    %get3A_11 = vector.shape_cast %get3A_10 : vector<1x64x4096xf32> to vector<64x4096xf32>
    %mul3A = arith.mulf %get3A_11, %get3A_11 : vector<64x4096xf32>
    %reduce_sum3A = arith.constant dense<0.000000e+00> : vector<4096xf32>
    %reduce_sum3A_12 = vector.multi_reduction <add>, %mul3A, %reduce_sum3A [0] : vector<64x4096xf32> to vector<4096xf32>
    %broadcast_in_dim3A_13 = vector.shape_cast %reduce_sum3A_12 : vector<4096xf32> to vector<1x4096xf32>
    %get3A_14 = arith.constant 0 : index
    %get3A_15 = arith.constant 0 : index
    %get3A_16 = vector.load %arg5[%get3A_14, %get3A_15] : memref<1024x1xf32, #tpu.memory_space<vmem>>, vector<1024x1xf32>
    %add3A = arith.addf %get3A_1, %get3A_1 : vector<1024x64xf32>
    %dot_general3A = arith.constant dense<0.000000e+00> : vector<1024x4096xf32>
    %dot_general3A_17 = tpu.matmul %add3A, %get3A_11, %dot_general3A {dimension_numbers = #tpu.dot_dimension_numbers<[1], [0], [0], [1], [0, 0, 1, 1], [], []>, transpose_lhs_hint = false} : vector<1024x64xf32>, vector<64x4096xf32>, vector<1024x4096xf32> -> vector<1024x4096xf32>
    %add3A_18 = vector.broadcast %broadcast_in_dim3A_13 : vector<1x4096xf32> to vector<1024x4096xf32>
    %add3A_19 = vector.broadcast %get3A_16 : vector<1024x1xf32> to vector<1024x4096xf32>
    %add3A_20 = arith.addf %add3A_18, %add3A_19 : vector<1024x4096xf32>
    %sub3A = arith.subf %add3A_20, %dot_general3A_17 : vector<1024x4096xf32>
    %reduce_min3A = arith.constant dense<0x7F800000> : vector<4096xf32>
    %reduce_min3A_21 = vector.multi_reduction <minimumf>, %sub3A, %reduce_min3A [0] : vector<1024x4096xf32> to vector<4096xf32>
    %broadcast_in_dim3A_22 = vector.shape_cast %reduce_min3A_21 : vector<4096xf32> to vector<1x4096xf32>
    %iota3A = tpu.iota {dimensions = array<i32: 0>} : vector<1024x4096xi32>
    %convert_element_type3A_23 = arith.sitofp %iota3A : vector<1024x4096xi32> to vector<1024x4096xf32>
    %eq3A_24 = vector.broadcast %broadcast_in_dim3A_22 : vector<1x4096xf32> to vector<1024x4096xf32>
    %eq3A_25 = arith.cmpf oeq, %sub3A, %eq3A_24 : vector<1024x4096xf32>
    %jit3A = arith.constant 1.024000e+03 : f32
    %broadcast_in_dim3A_26 = vector.broadcast %jit3A : f32 to vector<1024x4096xf32>
    %select_n3A = arith.select %eq3A_25, %convert_element_type3A_23, %broadcast_in_dim3A_26 : vector<1024x4096xi1>, vector<1024x4096xf32>
    %reduce_min3A_27 = arith.constant dense<0x7F800000> : vector<4096xf32>
    %reduce_min3A_28 = vector.multi_reduction <minimumf>, %select_n3A, %reduce_min3A_27 [0] : vector<1024x4096xf32> to vector<4096xf32>
    %broadcast_in_dim3A_29 = vector.shape_cast %reduce_min3A_28 : vector<4096xf32> to vector<1x4096xf32>
    %convert_element_type3A_30 = arith.fptosi %broadcast_in_dim3A_29 : vector<1x4096xf32> to vector<1x4096xi32>
    %swap3A_31 = arith.constant 0 : index
    %swap3A_32 = arith.constant 0 : index
    %swap3A_33 = arith.constant 0 : index
    %swap3A_34 = vector.load %arg3[%swap3A_31, %swap3A_32, %swap3A_33] : memref<1x1x4096xi32, #tpu.memory_space<vmem>>, vector<1x1x4096xi32>
    %swap3A_35 = vector.shape_cast %swap3A_34 : vector<1x1x4096xi32> to vector<1x4096xi32>
    %swap3A_36 = vector.shape_cast %convert_element_type3A_30 : vector<1x4096xi32> to vector<1x1x4096xi32>
    tpu.vector_store %arg3[%swap3A_31, %swap3A_32, %swap3A_33], %swap3A_36 {strides = array<i32>} : memref<1x1x4096xi32, #tpu.memory_space<vmem>>, vector<1x1x4096xi32>,
    return
  }
  func.func @transform_0(%arg0: i32) -> (i32, i32, i32) {
    %c0_i32 = arith.constant 0 : i32
    %c0_i32_0 = arith.constant 0 : i32
    %c0_i32_1 = arith.constant 0 : i32
    return %arg0, %c0_i32, %c0_i32_0 : i32, i32, i32
  }
  func.func @transform_1(%arg0: i32) -> (i32, i32) {
    %c0_i32 = arith.constant 0 : i32
    %c0_i32_0 = arith.constant 0 : i32
    %c0_i32_1 = arith.constant 0 : i32
    return %c0_i32, %c0_i32_0 : i32, i32
  }
  func.func @transform_2(%arg0: i32) -> (i32, i32, i32) {
    %c0_i32 = arith.constant 0 : i32
    %c0_i32_0 = arith.constant 0 : i32
    %c0_i32_1 = arith.constant 0 : i32
    return %arg0, %c0_i32, %c0_i32_0 : i32, i32, i32
  }
  func.func @transform_3(%arg0: i32) -> (i32, i32) {
    %c0_i32 = arith.constant 0 : i32
    %c0_i32_0 = arith.constant 0 : i32
    %c0_i32_1 = arith.constant 0 : i32
    return %c0_i32, %c0_i32_0 : i32, i32
  }
}

</mosaic_0001>

<sc_bundles>
// kernel: kernel.5.cloned.1.call-start
scs
__scs_entry_jumppad:
0x0: {  	(pc) =	sbr.rel $0x88, $3  }
0x1: {  	(tag) =	ssettag $0x0;
	lr =	simm.s32 $0x1  }
0x2: {  	[smem:$0x3F9F] =	sst lr;
	_ =	strace $0xD0000000  }
0x3: {  	_ = 	snop  }
0x4: {  	_ = 	snop  }
0x5: {  	_ = 	snop  }
0x6: {  	_ = 	snop  }
0x7: {  	_ = 	snop  }
__scs_overlays_trampoline_lowered:
0x8: {  	[smem:$0x3FAE] =	sst s0  }
0x9: {  	[smem:$0x3FAF] =	sst s1  }
0xa: {  	[smem:$0x3FB0] =	sst s2  }
0xb: {  	[smem:$0x3FB1] =	sst s3  }
0xc: {  	[smem:$0x3FB2] =	sst s4  }
0xd: {  	[smem:$0x3FB3] =	sst s5  }
0xe: {  	[smem:$0x3FB4] =	sst s6  }
0xf: {  	[smem:$0x3FB5] =	sst s7  }
0x10: {  	[smem:$0x3FB6] =	sst s8  }
0x11: {  	[smem:$0x3FB7] =	sst s9;
	s0 =	simm.s32 @!p0 $0x0  }
0x12: {  	s1 =	sld [smem:$0x3F9D];
	s0 =	simm.s32 @p0 $0x1  }
0x13: {  	[smem:$0x3FB8] =	sst s0;
	s0 =	simm.s32 @!p1 $0x0  }
0x14: {  	s2 =	sld [smem:$0x3F9C];
	s0 =	simm.s32 @p1 $0x1  }
0x15: {  	[smem:$0x3FB9] =	sst s0;
	s0 =	simm.s32 @!p2 $0x0  }
0x16: {  	s3 =	sld [smem:$0x3FDB];
	s0 =	simm.s32 @p2 $0x1  }
0x17: {  	s4 =	simm.s32 $0x1BF5;
	[smem:$0x3FBB] =	sst s0  }
0x18: {  	s0 =	sld [smem:$0x3F9E];
	_ =	swait.ge [sflag:s4], $0x0  }
0x19: {  	s7 =	sld [smem:$0x3F9F]  }
0x1a: {  	s8 =	sadd.s32 $0xFFFFE003, lr  }
0x1b: {  	s9 =	sadd.s32 $0xFFFFFEF7, lr;
	s5 =	simm.s32 $0xFFFFFFFF;
	p2 =	slt.u32 s8, $0xFFFFF086  }
0x1c: {  	p1 =	slt.u32 s9, $0xF7A;
	s5 =	simm.s32 @!p2 $0x0  }
0x1d: {  	s5 =	simm.s32 @p1 $0x1;
	p0 =	seq.s32 s7, s2  }
0x1e: {  	s7 =	smul.u32 @!p0 $0xF7A, s2;
	p2 =	seq.s32 @!p0 s5, $0x0  }
0x1f: {  	s9 =	smul.u32 $0xF7A, s1;
	s8 =	simm.s32 @!p0 $0x1BF5;
	p2 =	por !p2, p0  }
0x20: {  	[sflag:s8] =	ssyncset.s32 @!p0 $0xFFFFF086;
	s6 =	sadd.s32 @!p0 s3, s7;
	s7 =	simm.s32 @!p0 $0x108  }
0x21: {  	s3 =	sadd.s32 s3, s9;
	s6 =	sadd.s32 @!p0 $0x88, s6;
	s7 =	simm.s32 @p2 $0x1082  }
0x22: {  	[simem:s7], [sflag:s8] =	dma.local @!p0 [hbm:s6], $0xF7A  }
0x23: {  	s9 =	sor.u32 $0xD0000000, s2;
	s6 =	simm.s32 $0x108;
	_ =	swait.ge @!p0 [sflag:s8], $0x0  }
0x24: {  	s3 =	sadd.s32 $0x88, s3;
	s6 =	simm.s32 @!p1 $0x1082;
	[sflag:s4] =	ssyncset.s32 $0xFFFFF086  }
0x25: {  	[simem:s6], [sflag:s4] =	dma.local [hbm:s3], $0xF7A  }
0x26: {  	[smem:$0x3F9F] =	sst s1;
	(tag) =	ssettag s2;
	_ =	strace s9  }
0x27: {  	s1 =	sld [smem:$0x3FAF]  }
0x28: {  	s2 =	sld [smem:$0x3FB0]  }
0x29: {  	s4 =	sld [smem:$0x3FB2]  }
0x2a: {  	p0 =	seq.s32 s5, $0x0;
	s5 =	sld [smem:$0x3FB3]  }
0x2b: {  	s6 =	sld [smem:$0x3FB4]  }
0x2c: {  	s7 =	sld [smem:$0x3FB5]  }
0x2d: {  	s3 =	simm.s32 $0x108;
	s8 =	sld [smem:$0x3FB6]  }
0x2e: {  	s3 =	simm.s32 @!p0 $0x1082;
	s9 =	sld [smem:$0x3FB7]  }
0x2f: {  	lr =	sadd.s32 s0, s3;
	s0 =	sld [smem:$0x3FAE]  }
0x30: {  	s3 =	sld [smem:$0x3FB1]  }
0x31: {  	[smem:$0x3FBA] =	sst s10  }
0x32: {  	s10 =	sld [smem:$0x3FB8];
	_ =	sdelay $0x3  }
0x33: {  	p0 =	seq.s32 s10, $0x1;
	s10 =	sld [smem:$0x3FBA];
	_ =	sdelay $0x3  }
0x34: {  	[smem:$0x3FBA] =	sst s10  }
0x35: {  	s10 =	sld [smem:$0x3FB9];
	_ =	sdelay $0x3  }
0x36: {  	p1 =	seq.s32 s10, $0x1;
	s10 =	sld [smem:$0x3FBA];
	_ =	sdelay $0x3  }
0x37: {  	[smem:$0x3FBA] =	sst s10  }
0x38: {  	s10 =	sld [smem:$0x3FBB]  }
0x39: {  	_ = 	snop;
	(pc) =	sbr.ind lr, $3  }
0x3a: {  	_ = 	snop  }
0x3b: {  	_ = 	snop  }
0x3c: {  	p2 =	seq.s32 s10, $0x1;
	s10 =	sld [smem:$0x3FBA]  }
0x3d: {  	_ =	shalt  }
0x3e: {  	_ =	shalt  }
0x3f: {  	_ =	shalt  }
0x40: {  	_ =	shalt  }
0x41: {  	_ =	shalt  }
0x42: {  	_ =	shalt  }
0x43: {  	_ =	shalt  }
0x44: {  	_ =	shalt  }
0x45: {  	_ =	shalt  }
0x46: {  	_ =	shalt  }
0x47: {  	_ =	shalt  }
0x48: {  	_ =	shalt  }
0x49: {  	_ =	shalt  }
0x4a: {  	_ =	shalt  }
0x4b: {  	_ =	shalt  }
0x4c: {  	_ =	shalt  }
0x4d: {  	_ =	shalt  }
0x4e: {  	_ =	shalt  }
0x4f: {  	_ =	shalt  }
0x50: {  	_ =	shalt  }
0x51: {  	_ =	shalt  }
0x52: {  	_ =	shalt  }
0x53: {  	_ =	shalt  }
0x54: {  	_ =	shalt  }
0x55: {  	_ =	shalt  }
0x56: {  	_ =	shalt  }
0x57: {  	_ =	shalt  }
0x58: {  	_ =	shalt  }
0x59: {  	_ =	shalt  }
0x5a: {  	_ =	shalt  }
0x5b: {  	_ =	shalt  }
0x5c: {  	_ =	shalt  }
0x5d: {  	_ =	shalt  }
0x5e: {  	_ =	shalt  }
0x5f: {  	_ =	shalt  }
0x60: {  	_ =	shalt  }
0x61: {  	_ =	shalt  }
0x62: {  	_ =	shalt  }
0x63: {  	_ =	shalt  }
0x64: {  	_ =	shalt  }
0x65: {  	_ =	shalt  }
0x66: {  	_ =	shalt  }
0x67: {  	_ =	shalt  }
0x68: {  	_ =	shalt  }
0x69: {  	_ =	shalt  }
0x6a: {  	_ =	shalt  }
0x6b: {  	_ =	shalt  }
0x6c: {  	_ =	shalt  }
0x6d: {  	_ =	shalt  }
0x6e: {  	_ =	shalt  }
0x6f: {  	_ =	shalt  }
0x70: {  	_ =	shalt  }
0x71: {  	_ =	shalt  }
0x72: {  	_ =	shalt  }
0x73: {  	_ =	shalt  }
0x74: {  	_ =	shalt  }
0x75: {  	_ =	shalt  }
0x76: {  	_ =	shalt  }
0x77: {  	_ =	shalt  }
0x78: {  	_ =	shalt  }
0x79: {  	_ =	shalt  }
0x7a: {  	_ =	shalt  }
0x7b: {  	_ =	shalt  }
0x7c: {  	_ =	shalt  }
0x7d: {  	_ =	shalt  }
0x7e: {  	_ =	shalt  }
0x7f: {  	_ =	shalt  }
0x80: {  	_ =	shalt  }
0x81: {  	_ =	shalt  }
0x82: {  	_ =	shalt  }
0x83: {  	_ =	shalt  }
0x84: {  	_ =	shalt  }
0x85: {  	_ =	shalt  }
0x86: {  	_ =	shalt  }
0x87: {  	_ =	shalt  }
.Lfunc_end0:
.L_simem_size_0:
called_computation_lowered:
.L_overlay_start_0:
0x88: {  	s2 =	sld [smem:$0x3FD9]  }
0x89: {  	s3 =	sld [smem:$0x3FFE];
	_ =	sdelay $0x1  }
0x8a: {  	s1 =	srdreg.scid  }
0x8b: {  	s0 =	sand.u32 $0x1, s1  }
0x8c: {  	s17 =	sshll.u32 s0, $0xA;
	s2 =	sadd.s32 s3, s2  }
0x8d: {  	s2 =	sadd.s32 s2, s17  }
0x8e: {  	[smem:$0x3FC6] =	sst s2  }
0x8f: {  	_ = 	snop  }
0x90: {  	s2 =	sld [smem:$0x3FD0];
	(tm) =	ssettm $0x1  }
0x91: {  	s18 =	sld [smem:$0x3FFB];
	_ =	sdelay $0x3  }
0x92: {  	_ =	strace s18  }
0x93: {  	s3 =	sld [smem:$0x3FFC];
	_ =	sdelay $0x3  }
0x94: {  	_ =	strace s3  }
0x95: {  	s3 =	sld [smem:$0x3FFD];
	_ =	sdelay $0x3  }
0x96: {  	_ =	strace s3  }
0x97: {  	_ =	strace $0x8FFFFFFF  }
0x98: {  	s19 =	sld [smem:$0x3FDB];
	_ =	sdelay $0x1  }
0x99: {  	s4 =	simm.s32 $_scs_section_size  }
0x9a: {  	s5 =	simm.s32 $_size__tile_overlayer_lowered;
	s6 =	simm.s32 $_tile_overlayer_lowered  }
0x9b: {  	s22 =	simm.s32 $0x1BFF;
	s21 =	sshll.u32 s6, $0x1;
	s3 =	sadd.s32 s4, s19  }
0x9c: {  	s7 =	simm.s32 $0x0;
	s20 =	sshll.u32 s5, $0x1;
	s5 =	sadd.s32 s21, s3  }
0x9d: {  	[timem:s7], [sflag:s22] =	dma.local [hbm:s5], s20  }
0x9e: {  	_ =	swait.ge [sflag:s22], s20  }
0x9f: {  	s4 =	ssub.s32 $0x0, s20;
	[sflag:s22] =	ssyncset.done $0x0  }
0xa0: {  	[sflag:s22] =	ssyncadd.s32 s4;
	_ =	sdelay $0x1  }
0xa1: {  	s23 =	simm.s32 $0x1B8B  }
0xa2: {  	_ =	swait.ge [sflag:s23], $0x1  }
0xa3: {  	[sflag:s23] =	ssyncset.done $0x0  }
0xa4: {  	s25 =	simm.s32 $0x1B8E;
	s24 =	sld [smem:$0x3FFE];
	[sflag:s23] =	ssyncadd.s32 $0xFFFFFFFF  }
0xa5: {  	s26 =	simm.s32 $execute0_lowered;
	[smem:$0x3FD2] =	sst s25  }
0xa6: {  	s5 =	sshll.u32 s26, $0x1;
	_ =	strace $0x80000046;
	[dreg:$0x1] =	wrdreg $0xFFFFFFFF  }
0xa7: {  	s28 =	simm.s32 $_size_execute0_lowered;
	s3 =	sadd.s32 s3, s5;
	[dreg:$0x0] =	wrdreg $0x0  }
0xa8: {  	s5 =	sshll.u32 s28, $0x1;
	[dreg:$0x2] =	wrdreg s3  }
0xa9: {  	[dreg:$0x3] =	wrdreg s5  }
0xaa: {  	[dreg:$0x4] =	wrdreg $0xC0  }
0xab: {  	_ =	task [dreg:s7], $0x5FFFF  }
0xac: {  	[dreg:$0x1] =	wrdreg $0xFFFFFFFF  }
0xad: {  	[dreg:$0x0] =	wrdreg $0x60  }
0xae: {  	[dreg:$0x2] =	wrdreg s24  }
0xaf: {  	[dreg:$0x3] =	wrdreg s2  }
0xb0: {  	[dreg:$0x4] =	wrdreg $0x9  }
0xb1: {  	_ =	task.clear_ibuf [dreg:s7], $0x5FFFF;
	_ =	strace $0x90000046  }
0xb2: {  	s29 =	simm.s32 $0x9;
	_ =	strace $0x80000048  }
0xb3: {  	_ =	swait.ge [sflag:s29], $0x1  }
0xb4: {  	[sflag:s29] =	ssyncadd.s32 $0xFFFFFFFF  }
0xb5: {  	_ =	strace $0x90000048  }
0xb6: {  	_ =	sfence  }
0xb7: {  	s30 =	sld [smem:$0x0];
	_ =	sdelay $0x2  }
0xb8: {  	s31 =	sshll.u32 s1, $0xD;
	s1 =	sshrl.u32 s1, $0x2  }
0xb9: {  	s3 =	sand.u32 $0x4000, s31;
	s1 =	sadd.s32 s1, s30  }
0xba: {  	s0 =	sor.u32 s3, s0;
	s1 =	sshll.u32 s1, $0x11  }
0xbb: {  	s0 =	sor.u32 s1, s0  }
0xbc: {  	s0 =	sadd.s32 $0x8F2B, s0  }
0xbd: {  	[sflag:s0] =	ssyncadd.remote.s32 $0x1  }
0xbe: {  	_ =	sfence.sel $0xFFFF  }
0xbf: {  	[dreg:$0x0] =	wrdreg $0xFFFFFFFF;
	(pc) =	sbr.abs _section_cstart, $3  }
0xc0: {  	[dreg:$0x1] =	wrdreg $0xFFFFFFFF  }
0xc1: {  	_ =	task.clear_ibuf [dreg:s7], $0x2FFFF;
	_ =	strace $0x9FFFFFFF  }
0xc2: {  	(tm) =	ssettm $0x7FFFFFFF  }
0xc3: {  	_ =	shalt  }
tec
execute0_lowered:
.L_overlay_start_1:
0x0: {  	(tag) =	ssettag $0x1  }
0x1: {  	s1 =	srdreg.scid  }
0x2: {  	s5 =	rddreg [dreg:$0x0];
	s0 =	stileid.u32;
	s10 =	sand.u32 $0x1, s1  }
0x3: {  	s11 =	rddreg [dreg:$0x1];
	s3 =	sshll.u32 s0, $0xB;
	s4 =	sshll.u32 s10, $0xA  }
0x4: {  	s2 =	simm.s32 $0x0;
	s1 =	rddreg [dreg:$0x2];
	s9 =	sor.u32 s4, s3  }
0x5: {  	[smem:$0x7FF] =	sst s2;
	s12 =	sadd.s32 $0x4A00, s5;
	s3 =	sshrl.u32 s9, $0x3  }
0x6: {  	_ =	strace $0x80000047;
	s4 =	sadd.s32 s12, s3;
	s3 =	simm.s32 $0x2  }
0x7: {  	[tilespmem:s2], [sflag:$0x2] =	stream.linear.gather [hbm4b:s4+s2], $0x200, $0x38;
	[tilespmem:$0x10200] =	vst v63  }
0x8: {  	_ =	swait.ge [sflag:s3], $0x200  }
0x9: {  	s6 =	simm.s32 $0x200;
	[sflag:s3] =	ssyncset.done $0x0  }
0xa: {  	s7 =	simm.s32 $0x1;
	s5 =	sadd.s32 $0xA00, s5;
	[sflag:s3] =	ssyncadd.s32 $0xFFFFFE00  }
0xb: {  	[tilespmem:s6], [sflag:$0x1] =	stream.indirect.gather [hbm4b:s5+s6], $0x80, s2, s6, $0xb8;
	[tilespmem:$0x10200] =	vst v63  }
0xc: {  	_ =	swait.ge [sflag:s7], $0x10000  }
0xd: {  	s8 =	sshll.u32 s9, $0x4;
	[sflag:s7] =	ssyncset.done $0x0  }
0xe: {  	s8 =	sadd.s32 s11, s8;
	[sflag:s7] =	ssyncadd.s32 $0xFFFF0000  }
0xf: {  	[hbm4b:s8+s2] =	stream.linear.scatter [tilespmem:s6], [sflag:$0x2], $0x10000, $0x38;
	[tilespmem:$0x10200] =	vst v63  }
0x10: {  	s13 =	sor.u32 $0x200, s9;
	_ =	swait.ge [sflag:s3], $0x10000  }
0x11: {  	s9 =	sshrl.u32 s13, $0x3;
	[sflag:s3] =	ssyncset.done $0x0  }
0x12: {  	s10 =	ssub.s32 $0x2, s10;
	s9 =	sadd.s32 s12, s9;
	[sflag:s3] =	ssyncadd.s32 $0xFFFF0000  }
0x13: {  	[tilespmem:s2], [sflag:$0x2] =	stream.linear.gather [hbm4b:s9+s2], $0x200, $0x38;
	[tilespmem:$0x10200] =	vst v63  }
0x14: {  	s29 =	sshrl.u32 s10, $0x1;
	_ =	swait.ge [sflag:s3], $0x200  }
0x15: {  	s12 =	ssub.s32 s10, s29;
	[sflag:s3] =	ssyncset.done $0x0  }
0x16: {  	s31 =	smax.u32 s12, $0x1;
	[sflag:s3] =	ssyncadd.s32 $0xFFFFFE00  }
0x17: {  	[tilespmem:s6], [sflag:$0x1] =	stream.indirect.gather [hbm4b:s5+s6], $0x80, s2, s6, $0xb8;
	[tilespmem:$0x10200] =	vst v63  }
0x18: {  	p0 =	sne.s32 s31, $0x1;
	_ =	swait.ge [sflag:s7], $0x10000  }
.Ltmp0:
0x19: {  	s30 =	sshll.u32 s13, $0x4;
	[sflag:s7] =	ssyncset.done $0x0;
	(pc) =	sbr.rel @!p0 .LBB2_2-.Ltmp0, $4  }
0x1a: {  	s10 =	sadd.s32 s11, s30;
	[sflag:s7] =	ssyncadd.s32 $0xFFFF0000  }
0x1b: {  	[hbm4b:s10+s2] =	stream.linear.scatter [tilespmem:s6], [sflag:$0x2], $0x10000, $0x38;
	[tilespmem:$0x10200] =	vst v63  }
0x1c: {  	_ =	swait.ge [sflag:s3], $0x10000  }
0x1d: {  	s11 =	sadd.s32 $0xFFFFFFFF, s31;
	[sflag:s3] =	ssyncset.done $0x0  }
.LBB2_1:
0x1e: {  	p0 =	sne.s32 s11, $0x1;
	s11 =	sadd.s32 $0xFFFFFFFF, s11;
	[sflag:s3] =	ssyncadd.s32 $0xFFFF0000  }
0x1f: {  	[tilespmem:s2], [sflag:$0x2] =	stream.linear.gather [hbm4b:s4+s2], $0x200, $0x38;
	[tilespmem:$0x10200] =	vst v63  }
0x20: {  	_ =	swait.ge [sflag:s3], $0x200  }
0x21: {  	[sflag:s3] =	ssyncset.done $0x0  }
0x22: {  	[sflag:s3] =	ssyncadd.s32 $0xFFFFFE00  }
0x23: {  	[tilespmem:s6], [sflag:$0x1] =	stream.indirect.gather [hbm4b:s5+s6], $0x80, s2, s6, $0xb8;
	[tilespmem:$0x10200] =	vst v63  }
0x24: {  	_ =	swait.ge [sflag:s7], $0x10000  }
0x25: {  	[sflag:s7] =	ssyncset.done $0x0  }
0x26: {  	[sflag:s7] =	ssyncadd.s32 $0xFFFF0000  }
0x27: {  	[hbm4b:s8+s2] =	stream.linear.scatter [tilespmem:s6], [sflag:$0x2], $0x10000, $0x38;
	[tilespmem:$0x10200] =	vst v63  }
0x28: {  	_ =	swait.ge [sflag:s3], $0x10000  }
0x29: {  	[sflag:s3] =	ssyncset.done $0x0  }
0x2a: {  	[sflag:s3] =	ssyncadd.s32 $0xFFFF0000  }
0x2b: {  	[tilespmem:s2], [sflag:$0x2] =	stream.linear.gather [hbm4b:s9+s2], $0x200, $0x38;
	[tilespmem:$0x10200] =	vst v63  }
0x2c: {  	_ =	swait.ge [sflag:s3], $0x200  }
0x2d: {  	[sflag:s3] =	ssyncset.done $0x0  }
0x2e: {  	[sflag:s3] =	ssyncadd.s32 $0xFFFFFE00  }
0x2f: {  	[tilespmem:s6], [sflag:$0x1] =	stream.indirect.gather [hbm4b:s5+s6], $0x80, s2, s6, $0xb8;
	[tilespmem:$0x10200] =	vst v63  }
0x30: {  	_ =	swait.ge [sflag:s7], $0x10000  }
.Ltmp1:
0x31: {  	[sflag:s7] =	ssyncset.done $0x0;
	(pc) =	sbr.rel @p0 .LBB2_1-.Ltmp1, $4  }
0x32: {  	[sflag:s7] =	ssyncadd.s32 $0xFFFF0000  }
0x33: {  	[hbm4b:s10+s2] =	stream.linear.scatter [tilespmem:s6], [sflag:$0x2], $0x10000, $0x38;
	[tilespmem:$0x10200] =	vst v63  }
0x34: {  	_ =	swait.ge [sflag:s3], $0x10000  }
0x35: {  	[sflag:s3] =	ssyncset.done $0x0  }
.LBB2_2:
0x36: {  	[sflag:s3] =	ssyncadd.s32 $0xFFFF0000  }
0x37: {  	_ =	sfence.sel $0x180000  }
0x38: {  	[bflag:$0x0] =	sbarrier.arrive $0xFFFF  }
0x39: {  	p0 =	sne.s32 s0, $0x0;
	_ =	strace $0x90000047  }
0x3a: {  	s0 =	sadd.s32 @!p0 $0x100000, s1;
	[bflag:$0x2] =	sbarrier.arrive $0xFFFF  }
0x3b: {  	[sflag:s0] =	ssyncadd.tile.s32 @!p0 $0x1;
	_ =	shalt  }
.Lfunc_end2:
_tile_overlayer_lowered:
.L_overlay_start_2:
0x3c: {  	(tag) =	ssettag $0x2  }
0x3d: {  	s0 =	rddreg [dreg:$0x0];
	s2 =	stileid.u32  }
0x3e: {  	s1 =	rddreg [dreg:$0x1];
	p0 =	sne.s32 s2, $0x0  }
0x3f: {  	s3 =	rddreg [dreg:$0x2];
	[bflag:$0x3] =	sbarrier.arrive $0xFFFF;
	s2 =	simm.s32 @!p0 $0x1C02  }
0x40: {  	[timem:s3], [sflag:s2] =	dma.local @!p0 [hbm:s0], s1  }
0x41: {  	s0 =	simm.s32 @!p0 $0x2  }
0x42: {  	_ =	swait.ge @!p0 [sflag:s0], s1  }
0x43: {  	s1 =	ssub.s32 @!p0 $0x0, s1;
	[sflag:s0] =	ssyncset.done @!p0 $0x0  }
0x44: {  	[sflag:s0] =	ssyncadd.s32 @!p0 s1  }
0x45: {  	[bflag:$0x3] =	sbarrier.arrive $0xFFFF  }
0x46: {  	_ =	shalt  }

</sc_bundles>
